<compile_context>
chip_gen: v7x
topology: tpu7x:2x2x1
jax: 0.10.2.dev20260603
libtpu: 0.0.44.dev20260713+nightly
codegen_flags: <defaults>
</compile_context>

<pallas_src>
import functools

import jax
import jax.numpy as jnp
from jax import lax
from jax.experimental import pallas as pl
from jax.experimental.pallas import tpu as pltpu
from jax.experimental.pallas import tpu_sc as plsc

B = 16384
D = 64
L = 16
NC = 2
NS = 16
NW = NC * NS
BPW = B // NW
G = BPW // L


def _gather_body(users_hbm, ut_hbm, out_hbm, uidx_v, urow_v, sem_u):
    wid = lax.axis_index("s") * NC + lax.axis_index("c")
    base = wid * BPW
    pltpu.sync_copy(users_hbm.at[pl.ds(base, BPW)], uidx_v)
    pltpu.async_copy(ut_hbm.at[uidx_v], urow_v, sem_u).wait()
    pltpu.sync_copy(urow_v, out_hbm.at[pl.ds(base, BPW)])


def _score_body(items_hbm, it_hbm, pop_hbm, uemb_hbm, out_hbm,
                iidx_v, irow_v, uemb_v, pop_v, out_v, sem_i, sem_p, sem_e):
    wid = lax.axis_index("s") * NC + lax.axis_index("c")
    base = wid * BPW
    pltpu.sync_copy(items_hbm.at[pl.ds(base, BPW)], iidx_v)
    ci = pltpu.async_copy(it_hbm.at[iidx_v], irow_v, sem_i)
    cp = pltpu.async_copy(pop_hbm.at[iidx_v], pop_v, sem_p)
    ce = pltpu.async_copy(uemb_hbm.at[pl.ds(base, BPW)], uemb_v, sem_e)
    ci.wait()
    cp.wait()
    ce.wait()

    lanes = lax.iota(jnp.int32, L)

    def g_body(g, _):
        row = g * L + lanes

        def d_body(d, accs):
            a0, a1 = accs
            c0 = jnp.full((L,), 2 * d, jnp.int32)
            c1 = c0 + 1
            u0 = plsc.load_gather(uemb_v, [row, c0])
            i0 = plsc.load_gather(irow_v, [row, c0])
            u1 = plsc.load_gather(uemb_v, [row, c1])
            i1 = plsc.load_gather(irow_v, [row, c1])
            return (a0 + u0 * i0, a1 + u1 * i1)

        zero = jnp.zeros((L,), jnp.float32)
        a0, a1 = lax.fori_loop(0, D // 2, d_body, (zero, zero))
        acc = a0 + a1
        r = jnp.where(acc > 0, acc + 1.0, jnp.exp(acc))
        p = pop_v[pl.ds(g * L, L)]
        out_v[pl.ds(g * L, L)] = r * p
        return 0

    lax.fori_loop(0, G, g_body, 0)
    pltpu.sync_copy(out_v, out_hbm.at[pl.ds(base, BPW)])


@functools.partial(jax.jit)
def _run(users, items, user_table, item_table, last_popularity):
    mesh = plsc.VectorSubcoreMesh(core_axis_name="c", subcore_axis_name="s")
    params = pltpu.CompilerParams(
        use_tc_tiling_on_sc=False, needs_layout_passes=False)
    gather = functools.partial(
        pl.kernel,
        mesh=mesh,
        out_type=jax.ShapeDtypeStruct((B, D), jnp.float32),
        scratch_types=[
            pltpu.VMEM((BPW,), jnp.int32),
            pltpu.VMEM((BPW, D), jnp.float32),
            pltpu.SemaphoreType.DMA,
        ],
        compiler_params=params,
    )(_gather_body)
    score = functools.partial(
        pl.kernel,
        mesh=mesh,
        out_type=jax.ShapeDtypeStruct((B,), jnp.float32),
        scratch_types=[
            pltpu.VMEM((BPW,), jnp.int32),
            pltpu.VMEM((BPW, D), jnp.float32),
            pltpu.VMEM((BPW, D), jnp.float32),
            pltpu.VMEM((BPW,), jnp.float32),
            pltpu.VMEM((BPW,), jnp.float32),
            pltpu.SemaphoreType.DMA,
            pltpu.SemaphoreType.DMA,
            pltpu.SemaphoreType.DMA,
        ],
        compiler_params=params,
    )(_score_body)
    uemb = gather(users, user_table)
    return score(items, item_table, last_popularity, uemb)


def kernel(users, items, user_table, item_table, last_popularity):
    return _run(users.astype(jnp.int32), items.astype(jnp.int32),
                user_table, item_table, last_popularity)

# --- scband reference (transcript-rebuilt; emitter-appended) ---
"""Pipeline reference for scband-conditional-bprmf-75651553952044 (READ-ONLY COPY).

The authoritative reference and input builder live on the scoring server;
editing this copy changes nothing except your own understanding.
"""

import jax, jax.numpy as jnp
import numpy as np

NUM_USERS = 1000000
NUM_ITEMS = 1000000
EMBED_DIM = 64
BATCH = 16384


def setup_inputs(seed: int = 0) -> dict:
    key = jax.random.key(seed)
    k1, k2, k3, k4, k5 = jax.random.split(key, 5)
    # xavier_uniform gain=1: bound = sqrt(6 / (fan_in + fan_out))
    bound_u = float(np.sqrt(6.0 / (NUM_USERS + EMBED_DIM)))
    bound_i = float(np.sqrt(6.0 / (NUM_ITEMS + EMBED_DIM)))
    user_table = jax.random.uniform(k1, (NUM_USERS, EMBED_DIM), dtype=jnp.float32, minval=-bound_u, maxval=bound_u)
    item_table = jax.random.uniform(k2, (NUM_ITEMS, EMBED_DIM), dtype=jnp.float32, minval=-bound_i, maxval=bound_i)
    last_popularity = jax.random.uniform(k3, (NUM_ITEMS,), dtype=jnp.float32)
    users = jax.random.randint(k4, (BATCH,), 0, NUM_USERS, dtype=jnp.int64 if jax.config.jax_enable_x64 else jnp.int32)
    items = jax.random.randint(k5, (BATCH,), 0, NUM_ITEMS, dtype=jnp.int64 if jax.config.jax_enable_x64 else jnp.int32)
    return {"users": users, "items": items, "user_table": user_table, "item_table": item_table, "last_popularity": last_popularity}


def reference(users, items, user_table, item_table, last_popularity):
    # computer(): identity on the embedding tables (plain BPR-MF)
    users_emb = jnp.take(user_table, users, axis=0)      # gather [B, D]
    items_emb = jnp.take(item_table, items, axis=0)      # gather [B, D]
    rating = jnp.sum(users_emb * items_emb, axis=1)      # [B]
    rating = jax.nn.elu(rating) + 1.0
    items_pop = jnp.take(last_popularity, items, axis=0) # gather [B]
    rating = rating * items_pop
    return rating

if __name__ == "__main__":
    import jax
    _d = setup_inputs()
    print(jax.jit(kernel)(*tuple(_d.values())))

</pallas_src>

<mosaic_0001>
#map = affine_map<(d0, d1) -> (0)>
#map1 = affine_map<(d0, d1) -> (0, 0)>
module attributes {stable_mosaic.version = 14 : i64} {
  func.func @_gather_body(%arg0: i32, %arg1: i32, %arg2: memref<16384xi32, #tpu.memory_space<hbm>>, %arg3: memref<1000000x64xf32, #tpu.memory_space<hbm>>, %arg4: memref<16384x64xf32, #tpu.memory_space<hbm>>, %arg5: memref<512xi32, #tpu.memory_space<vmem>>, %arg6: memref<512x64xf32, #tpu.memory_space<vmem>>, %arg7: memref<!tpu.dma_semaphore, #tpu.memory_space<semaphore_mem>>) attributes {dimension_semantics = [#tpu.dimension_semantics<core_parallel>, #tpu.dimension_semantics<subcore_parallel>], iteration_bounds = array<i64: 2, 16>, scalar_prefetch = 0 : i64, scratch_operands = 3 : i64, tpu.core_type = #tpu.core_type<sc_vector_subcore>, window_params = [{transform_indices = #map}, {transform_indices = #map1}, {transform_indices = #map1}]} {
    %mul3A = arith.constant 2 : i32
    %mul3A_0 = arith.muli %arg1, %mul3A : i32
    %add3A = arith.addi %mul3A_0, %arg0 : i32
    %mul3A_1 = arith.constant 512 : i32
    %mul3A_2 = arith.muli %add3A, %mul3A_1 : i32
    "tpu.region"() ({
      %run_scoped3A = tpu.sem_alloc : memref<!tpu.dma_semaphore, #tpu.memory_space<semaphore_mem>>
      %dma_start3A_7 = tpu.memref_slice %arg2[%mul3A_2] : memref<16384xi32, #tpu.memory_space<hbm>> -> memref<512xi32, #tpu.memory_space<hbm>>
      %dma_start3A_8 = tpu.memref_slice %arg2[%mul3A_2] : memref<16384xi32, #tpu.memory_space<hbm>> -> memref<512xi32, #tpu.memory_space<hbm>>
      tpu.enqueue_dma source(%dma_start3A_8 : memref<512xi32, #tpu.memory_space<hbm>>) target(%arg5 : memref<512xi32, #tpu.memory_space<vmem>>) target_semaphore(%run_scoped3A : memref<!tpu.dma_semaphore, #tpu.memory_space<semaphore_mem>>)
      %dma_wait3A_9 = tpu.memref_slice %arg2[%mul3A_2] : memref<16384xi32, #tpu.memory_space<hbm>> -> memref<512xi32, #tpu.memory_space<hbm>>
      %dma_wait3A_10 = tpu.memref_slice %arg2[%mul3A_2] : memref<16384xi32, #tpu.memory_space<hbm>> -> memref<512xi32, #tpu.memory_space<hbm>>
      tpu.wait_dma2 semaphore(%run_scoped3A : memref<!tpu.dma_semaphore, #tpu.memory_space<semaphore_mem>>) src(%dma_wait3A_10 : memref<512xi32, #tpu.memory_space<hbm>>) dst(%arg5 : memref<512xi32, #tpu.memory_space<vmem>>)
      tpu.yield
    }) : () -> ()
    %dma_start3A = arith.constant 0 : i32
    %dma_start3A_3 = arith.constant 0 : i32
    %dma_start3A_4 = tpu.memref_slice %arg3[%dma_start3A, %dma_start3A_3] : memref<1000000x64xf32, #tpu.memory_space<hbm>> -> memref<1000000x64xf32, #tpu.memory_space<hbm>>
    tpu.enqueue_indirect_dma source(%dma_start3A_4 : memref<1000000x64xf32, #tpu.memory_space<hbm>>) target(%arg6 : memref<512x64xf32, #tpu.memory_space<vmem>>) offsets(%arg5 : memref<512xi32, #tpu.memory_space<vmem>>) semaphore(%arg7 : memref<!tpu.dma_semaphore, #tpu.memory_space<semaphore_mem>>)
    %dma_wait3A = arith.constant 0 : i32
    %dma_wait3A_5 = arith.constant 0 : i32
    %dma_wait3A_6 = tpu.memref_slice %arg3[%dma_wait3A, %dma_wait3A_5] : memref<1000000x64xf32, #tpu.memory_space<hbm>> -> memref<1000000x64xf32, #tpu.memory_space<hbm>>
    tpu.wait_indirect_dma semaphore(%arg7 : memref<!tpu.dma_semaphore, #tpu.memory_space<semaphore_mem>>) src(%dma_wait3A_6 : memref<1000000x64xf32, #tpu.memory_space<hbm>>) dst(%arg6 : memref<512x64xf32, #tpu.memory_space<vmem>>)
    "tpu.region"() ({
      %run_scoped3A = tpu.sem_alloc : memref<!tpu.dma_semaphore, #tpu.memory_space<semaphore_mem>>
      %dma_start3A_7 = arith.constant 0 : i32
      %dma_start3A_8 = tpu.memref_slice %arg4[%mul3A_2, %dma_start3A_7] : memref<16384x64xf32, #tpu.memory_space<hbm>> -> memref<512x64xf32, #tpu.memory_space<hbm>>
      %dma_start3A_9 = arith.constant 0 : i32
      %dma_start3A_10 = tpu.memref_slice %arg4[%mul3A_2, %dma_start3A_9] : memref<16384x64xf32, #tpu.memory_space<hbm>> -> memref<512x64xf32, #tpu.memory_space<hbm>>
      tpu.enqueue_dma source(%arg6 : memref<512x64xf32, #tpu.memory_space<vmem>>) target(%dma_start3A_10 : memref<512x64xf32, #tpu.memory_space<hbm>>) target_semaphore(%run_scoped3A : memref<!tpu.dma_semaphore, #tpu.memory_space<semaphore_mem>>)
      %dma_wait3A_11 = arith.constant 0 : i32
      %dma_wait3A_12 = tpu.memref_slice %arg4[%mul3A_2, %dma_wait3A_11] : memref<16384x64xf32, #tpu.memory_space<hbm>> -> memref<512x64xf32, #tpu.memory_space<hbm>>
      %dma_wait3A_13 = arith.constant 0 : i32
      %dma_wait3A_14 = tpu.memref_slice %arg4[%mul3A_2, %dma_wait3A_13] : memref<16384x64xf32, #tpu.memory_space<hbm>> -> memref<512x64xf32, #tpu.memory_space<hbm>>
      tpu.wait_dma2 semaphore(%run_scoped3A : memref<!tpu.dma_semaphore, #tpu.memory_space<semaphore_mem>>) src(%arg6 : memref<512x64xf32, #tpu.memory_space<vmem>>) dst(%dma_wait3A_14 : memref<512x64xf32, #tpu.memory_space<hbm>>)
      tpu.yield
    }) : () -> ()
    return
  }
}

#map = affine_map<(d0, d1) -> (0)>
#map1 = affine_map<(d0, d1) -> (0, 0)>
module attributes {stable_mosaic.version = 14 : i64} {
  func.func @_score_body(%arg0: i32, %arg1: i32, %arg2: memref<16384xi32, #tpu.memory_space<hbm>>, %arg3: memref<1000000x64xf32, #tpu.memory_space<hbm>>, %arg4: memref<1000000xf32, #tpu.memory_space<hbm>>, %arg5: memref<16384x64xf32, #tpu.memory_space<hbm>>, %arg6: memref<16384xf32, #tpu.memory_space<hbm>>, %arg7: memref<512xi32, #tpu.memory_space<vmem>>, %arg8: memref<512x64xf32, #tpu.memory_space<vmem>>, %arg9: memref<512x64xf32, #tpu.memory_space<vmem>>, %arg10: memref<512xf32, #tpu.memory_space<vmem>>, %arg11: memref<512xf32, #tpu.memory_space<vmem>>, %arg12: memref<!tpu.dma_semaphore, #tpu.memory_space<semaphore_mem>>, %arg13: memref<!tpu.dma_semaphore, #tpu.memory_space<semaphore_mem>>, %arg14: memref<!tpu.dma_semaphore, #tpu.memory_space<semaphore_mem>>) attributes {dimension_semantics = [#tpu.dimension_semantics<core_parallel>, #tpu.dimension_semantics<subcore_parallel>], iteration_bounds = array<i64: 2, 16>, scalar_prefetch = 0 : i64, scratch_operands = 8 : i64, tpu.core_type = #tpu.core_type<sc_vector_subcore>, window_params = [{transform_indices = #map}, {transform_indices = #map1}, {transform_indices = #map}, {transform_indices = #map1}, {transform_indices = #map}]} {
    %mul3A = arith.constant 2 : i32
    %mul3A_0 = arith.muli %arg1, %mul3A : i32
    %add3A = arith.addi %mul3A_0, %arg0 : i32
    %mul3A_1 = arith.constant 512 : i32
    %mul3A_2 = arith.muli %add3A, %mul3A_1 : i32
    "tpu.region"() ({
      %run_scoped3A = tpu.sem_alloc : memref<!tpu.dma_semaphore, #tpu.memory_space<semaphore_mem>>
      %dma_start3A_25 = tpu.memref_slice %arg2[%mul3A_2] : memref<16384xi32, #tpu.memory_space<hbm>> -> memref<512xi32, #tpu.memory_space<hbm>>
      %dma_start3A_26 = tpu.memref_slice %arg2[%mul3A_2] : memref<16384xi32, #tpu.memory_space<hbm>> -> memref<512xi32, #tpu.memory_space<hbm>>
      tpu.enqueue_dma source(%dma_start3A_26 : memref<512xi32, #tpu.memory_space<hbm>>) target(%arg7 : memref<512xi32, #tpu.memory_space<vmem>>) target_semaphore(%run_scoped3A : memref<!tpu.dma_semaphore, #tpu.memory_space<semaphore_mem>>)
      %dma_wait3A_27 = tpu.memref_slice %arg2[%mul3A_2] : memref<16384xi32, #tpu.memory_space<hbm>> -> memref<512xi32, #tpu.memory_space<hbm>>
      %dma_wait3A_28 = tpu.memref_slice %arg2[%mul3A_2] : memref<16384xi32, #tpu.memory_space<hbm>> -> memref<512xi32, #tpu.memory_space<hbm>>
      tpu.wait_dma2 semaphore(%run_scoped3A : memref<!tpu.dma_semaphore, #tpu.memory_space<semaphore_mem>>) src(%dma_wait3A_28 : memref<512xi32, #tpu.memory_space<hbm>>) dst(%arg7 : memref<512xi32, #tpu.memory_space<vmem>>)
      tpu.yield
    }) : () -> ()
    %dma_start3A = arith.constant 0 : i32
    %dma_start3A_3 = arith.constant 0 : i32
    %dma_start3A_4 = tpu.memref_slice %arg3[%dma_start3A, %dma_start3A_3] : memref<1000000x64xf32, #tpu.memory_space<hbm>> -> memref<1000000x64xf32, #tpu.memory_space<hbm>>
    tpu.enqueue_indirect_dma source(%dma_start3A_4 : memref<1000000x64xf32, #tpu.memory_space<hbm>>) target(%arg8 : memref<512x64xf32, #tpu.memory_space<vmem>>) offsets(%arg7 : memref<512xi32, #tpu.memory_space<vmem>>) semaphore(%arg12 : memref<!tpu.dma_semaphore, #tpu.memory_space<semaphore_mem>>)
    %dma_start3A_5 = arith.constant 0 : i32
    %dma_start3A_6 = tpu.memref_slice %arg4[%dma_start3A_5] : memref<1000000xf32, #tpu.memory_space<hbm>> -> memref<1000000xf32, #tpu.memory_space<hbm>>
    tpu.enqueue_indirect_dma source(%dma_start3A_6 : memref<1000000xf32, #tpu.memory_space<hbm>>) target(%arg10 : memref<512xf32, #tpu.memory_space<vmem>>) offsets(%arg7 : memref<512xi32, #tpu.memory_space<vmem>>) semaphore(%arg13 : memref<!tpu.dma_semaphore, #tpu.memory_space<semaphore_mem>>)
    %dma_start3A_7 = arith.constant 0 : i32
    %dma_start3A_8 = tpu.memref_slice %arg5[%mul3A_2, %dma_start3A_7] : memref<16384x64xf32, #tpu.memory_space<hbm>> -> memref<512x64xf32, #tpu.memory_space<hbm>>
    %dma_start3A_9 = arith.constant 0 : i32
    %dma_start3A_10 = tpu.memref_slice %arg5[%mul3A_2, %dma_start3A_9] : memref<16384x64xf32, #tpu.memory_space<hbm>> -> memref<512x64xf32, #tpu.memory_space<hbm>>
    tpu.enqueue_dma source(%dma_start3A_10 : memref<512x64xf32, #tpu.memory_space<hbm>>) target(%arg9 : memref<512x64xf32, #tpu.memory_space<vmem>>) target_semaphore(%arg14 : memref<!tpu.dma_semaphore, #tpu.memory_space<semaphore_mem>>)
    %dma_wait3A = arith.constant 0 : i32
    %dma_wait3A_11 = arith.constant 0 : i32
    %dma_wait3A_12 = tpu.memref_slice %arg3[%dma_wait3A, %dma_wait3A_11] : memref<1000000x64xf32, #tpu.memory_space<hbm>> -> memref<1000000x64xf32, #tpu.memory_space<hbm>>
    tpu.wait_indirect_dma semaphore(%arg12 : memref<!tpu.dma_semaphore, #tpu.memory_space<semaphore_mem>>) src(%dma_wait3A_12 : memref<1000000x64xf32, #tpu.memory_space<hbm>>) dst(%arg8 : memref<512x64xf32, #tpu.memory_space<vmem>>)
    %dma_wait3A_13 = arith.constant 0 : i32
    %dma_wait3A_14 = tpu.memref_slice %arg4[%dma_wait3A_13] : memref<1000000xf32, #tpu.memory_space<hbm>> -> memref<1000000xf32, #tpu.memory_space<hbm>>
    tpu.wait_indirect_dma semaphore(%arg13 : memref<!tpu.dma_semaphore, #tpu.memory_space<semaphore_mem>>) src(%dma_wait3A_14 : memref<1000000xf32, #tpu.memory_space<hbm>>) dst(%arg10 : memref<512xf32, #tpu.memory_space<vmem>>)
    %dma_wait3A_15 = arith.constant 0 : i32
    %dma_wait3A_16 = tpu.memref_slice %arg5[%mul3A_2, %dma_wait3A_15] : memref<16384x64xf32, #tpu.memory_space<hbm>> -> memref<512x64xf32, #tpu.memory_space<hbm>>
    %dma_wait3A_17 = arith.constant 0 : i32
    %dma_wait3A_18 = tpu.memref_slice %arg5[%mul3A_2, %dma_wait3A_17] : memref<16384x64xf32, #tpu.memory_space<hbm>> -> memref<512x64xf32, #tpu.memory_space<hbm>>
    tpu.wait_dma2 semaphore(%arg14 : memref<!tpu.dma_semaphore, #tpu.memory_space<semaphore_mem>>) src(%dma_wait3A_18 : memref<512x64xf32, #tpu.memory_space<hbm>>) dst(%arg9 : memref<512x64xf32, #tpu.memory_space<vmem>>)
    %iota3A = tpu.iota {dimensions = array<i32: 0>} : vector<16xi32>
    %scan3A = arith.constant 0 : i32
    %scan3A_19 = arith.constant 0 : i32
    %scan3A_20 = arith.constant 32 : i32
    %scan3A_21 = arith.addi %scan3A_19, %scan3A_20 : i32
    %scan3A_22 = arith.constant 1 : i32
    %scan3A_23 = scf.for %scan3A_25 = %scan3A_19 to %scan3A_21 step %scan3A_22 iter_args(%scan3A_26 = %scan3A) -> (i32)  : i32 {
      %mul3A_27 = arith.constant 16 : i32
      %mul3A_28 = arith.muli %scan3A_25, %mul3A_27 : i32
      %add3A_29 = vector.broadcast %mul3A_28 : i32 to vector<16xi32>
      %add3A_30 = arith.addi %add3A_29, %iota3A : vector<16xi32>
      %broadcast_in_dim3A = arith.constant 0.000000e+00 : f32
      %broadcast_in_dim3A_31 = vector.broadcast %broadcast_in_dim3A : f32 to vector<16xf32>
      %scan3A_32 = arith.constant 0 : i32
      %scan3A_33 = arith.constant 32 : i32
      %scan3A_34 = arith.addi %scan3A_32, %scan3A_33 : i32
      %scan3A_35 = arith.constant 1 : i32
      %scan3A_36:2 = scf.for %scan3A_52 = %scan3A_32 to %scan3A_34 step %scan3A_35 iter_args(%scan3A_53 = %broadcast_in_dim3A_31, %scan3A_54 = %broadcast_in_dim3A_31) -> (vector<16xf32>, vector<16xf32>)  : i32 {
        %mul3A_55 = arith.constant 2 : i32
        %mul3A_56 = arith.muli %mul3A_55, %scan3A_52 : i32
        %broadcast_in_dim3A_57 = vector.broadcast %mul3A_56 : i32 to vector<16xi32>
        %add3A_58 = arith.constant 1 : i32
        %add3A_59 = vector.broadcast %add3A_58 : i32 to vector<16xi32>
        %add3A_60 = arith.addi %broadcast_in_dim3A_57, %add3A_59 : vector<16xi32>
        %gather3A = tpu.vector_load_idx %arg9[%add3A_30, %broadcast_in_dim3A_57] : memref<512x64xf32, #tpu.memory_space<vmem>>[vector<16xi32>, vector<16xi32>], vector<16xf32>,
        %gather3A_61 = tpu.vector_load_idx %arg8[%add3A_30, %broadcast_in_dim3A_57] : memref<512x64xf32, #tpu.memory_space<vmem>>[vector<16xi32>, vector<16xi32>], vector<16xf32>,
        %gather3A_62 = tpu.vector_load_idx %arg9[%add3A_30, %add3A_60] : memref<512x64xf32, #tpu.memory_space<vmem>>[vector<16xi32>, vector<16xi32>], vector<16xf32>,
        %gather3A_63 = tpu.vector_load_idx %arg8[%add3A_30, %add3A_60] : memref<512x64xf32, #tpu.memory_space<vmem>>[vector<16xi32>, vector<16xi32>], vector<16xf32>,
        %mul3A_64 = arith.mulf %gather3A, %gather3A_61 : vector<16xf32>
        %add3A_65 = arith.addf %scan3A_53, %mul3A_64 : vector<16xf32>
        %mul3A_66 = arith.mulf %gather3A_62, %gather3A_63 : vector<16xf32>
        %add3A_67 = arith.addf %scan3A_54, %mul3A_66 : vector<16xf32>
        scf.yield %add3A_65, %add3A_67 : vector<16xf32>, vector<16xf32>
      }
      %scan3A_37 = arith.constant 32 : i32
      %add3A_38 = arith.addf %scan3A_36#0, %scan3A_36#1 : vector<16xf32>
      %gt3A = arith.constant 0.000000e+00 : f32
      %gt3A_39 = vector.broadcast %gt3A : f32 to vector<16xf32>
      %gt3A_40 = arith.cmpf ogt, %add3A_38, %gt3A_39 : vector<16xf32>
      %add3A_41 = arith.constant 1.000000e+00 : f32
      %add3A_42 = vector.broadcast %add3A_41 : f32 to vector<16xf32>
      %add3A_43 = arith.addf %add3A_38, %add3A_42 : vector<16xf32>
      %exp3A = math.exp %add3A_38 : vector<16xf32>
      %select_n3A = arith.select %gt3A_40, %add3A_43, %exp3A : vector<16xi1>, vector<16xf32>
      %mul3A_44 = arith.constant 16 : i32
      %mul3A_45 = arith.muli %scan3A_25, %mul3A_44 : i32
      %get3A = arith.index_cast %mul3A_45 : i32 to index
      %get3A_46 = tpu.vector_load %arg10[%get3A] {strides = array<i32>} : memref<512xf32, #tpu.memory_space<vmem>>, vector<16xf32>,
      %mul3A_47 = arith.mulf %select_n3A, %get3A_46 : vector<16xf32>
      %mul3A_48 = arith.constant 16 : i32
      %mul3A_49 = arith.muli %scan3A_25, %mul3A_48 : i32
      %swap3A = arith.index_cast %mul3A_49 : i32 to index
      %swap3A_50 = tpu.vector_load %arg11[%swap3A] {strides = array<i32>} : memref<512xf32, #tpu.memory_space<vmem>>, vector<16xf32>,
      tpu.vector_store %arg11[%swap3A], %mul3A_47 {strides = array<i32>} : memref<512xf32, #tpu.memory_space<vmem>>, vector<16xf32>,
      %scan3A_51 = arith.constant 0 : i32
      scf.yield %scan3A_51 : i32
    }
    %scan3A_24 = arith.constant 32 : i32
    "tpu.region"() ({
      %run_scoped3A = tpu.sem_alloc : memref<!tpu.dma_semaphore, #tpu.memory_space<semaphore_mem>>
      %dma_start3A_25 = tpu.memref_slice %arg6[%mul3A_2] : memref<16384xf32, #tpu.memory_space<hbm>> -> memref<512xf32, #tpu.memory_space<hbm>>
      %dma_start3A_26 = tpu.memref_slice %arg6[%mul3A_2] : memref<16384xf32, #tpu.memory_space<hbm>> -> memref<512xf32, #tpu.memory_space<hbm>>
      tpu.enqueue_dma source(%arg11 : memref<512xf32, #tpu.memory_space<vmem>>) target(%dma_start3A_26 : memref<512xf32, #tpu.memory_space<hbm>>) target_semaphore(%run_scoped3A : memref<!tpu.dma_semaphore, #tpu.memory_space<semaphore_mem>>)
      %dma_wait3A_27 = tpu.memref_slice %arg6[%mul3A_2] : memref<16384xf32, #tpu.memory_space<hbm>> -> memref<512xf32, #tpu.memory_space<hbm>>
      %dma_wait3A_28 = tpu.memref_slice %arg6[%mul3A_2] : memref<16384xf32, #tpu.memory_space<hbm>> -> memref<512xf32, #tpu.memory_space<hbm>>
      tpu.wait_dma2 semaphore(%run_scoped3A : memref<!tpu.dma_semaphore, #tpu.memory_space<semaphore_mem>>) src(%arg11 : memref<512xf32, #tpu.memory_space<vmem>>) dst(%dma_wait3A_28 : memref<512xf32, #tpu.memory_space<hbm>>)
      tpu.yield
    }) : () -> ()
    return
  }
}

</mosaic_0001>

<sc_bundles>
// kernel: _run.4.cloned.1.call-start
scs
__scs_entry_jumppad:
0x0: {  	(pc) =	sbr.rel $0x88, $3  }
0x1: {  	(tag) =	ssettag $0x0;
	lr =	simm.s32 $0x1  }
0x2: {  	[smem:$0x3F9C] =	sst lr;
	_ =	strace $0xD0000000  }
0x3: {  	_ = 	snop  }
0x4: {  	_ = 	snop  }
0x5: {  	_ = 	snop  }
0x6: {  	_ = 	snop  }
0x7: {  	_ = 	snop  }
__scs_overlays_trampoline_lowered:
0x8: {  	[smem:$0x3FAB] =	sst s0  }
0x9: {  	[smem:$0x3FAC] =	sst s1  }
0xa: {  	[smem:$0x3FAD] =	sst s2  }
0xb: {  	[smem:$0x3FAE] =	sst s3  }
0xc: {  	[smem:$0x3FAF] =	sst s4  }
0xd: {  	[smem:$0x3FB0] =	sst s5  }
0xe: {  	[smem:$0x3FB1] =	sst s6  }
0xf: {  	[smem:$0x3FB2] =	sst s7  }
0x10: {  	[smem:$0x3FB3] =	sst s8  }
0x11: {  	[smem:$0x3FB4] =	sst s9;
	s0 =	simm.s32 @!p0 $0x0  }
0x12: {  	s1 =	sld [smem:$0x3F9A];
	s0 =	simm.s32 @p0 $0x1  }
0x13: {  	[smem:$0x3FB5] =	sst s0;
	s0 =	simm.s32 @!p1 $0x0  }
0x14: {  	s2 =	sld [smem:$0x3F99];
	s0 =	simm.s32 @p1 $0x1  }
0x15: {  	[smem:$0x3FB6] =	sst s0;
	s0 =	simm.s32 @!p2 $0x0  }
0x16: {  	s3 =	sld [smem:$0x3FDB];
	s0 =	simm.s32 @p2 $0x1  }
0x17: {  	s4 =	simm.s32 $0x1BF5;
	[smem:$0x3FB8] =	sst s0  }
0x18: {  	s0 =	sld [smem:$0x3F9B];
	_ =	swait.ge [sflag:s4], $0x0  }
0x19: {  	s7 =	sld [smem:$0x3F9C]  }
0x1a: {  	s8 =	sadd.s32 $0xFFFFE003, lr  }
0x1b: {  	s9 =	sadd.s32 $0xFFFFFEF7, lr;
	s5 =	simm.s32 $0xFFFFFFFF;
	p2 =	slt.u32 s8, $0xFFFFF086  }
0x1c: {  	p1 =	slt.u32 s9, $0xF7A;
	s5 =	simm.s32 @!p2 $0x0  }
0x1d: {  	s5 =	simm.s32 @p1 $0x1;
	p0 =	seq.s32 s7, s2  }
0x1e: {  	s7 =	smul.u32 @!p0 $0xF7A, s2;
	p2 =	seq.s32 @!p0 s5, $0x0  }
0x1f: {  	s9 =	smul.u32 $0xF7A, s1;
	s8 =	simm.s32 @!p0 $0x1BF5;
	p2 =	por !p2, p0  }
0x20: {  	[sflag:s8] =	ssyncset.s32 @!p0 $0xFFFFF086;
	s6 =	sadd.s32 @!p0 s3, s7;
	s7 =	simm.s32 @!p0 $0x108  }
0x21: {  	s3 =	sadd.s32 s3, s9;
	s6 =	sadd.s32 @!p0 $0x88, s6;
	s7 =	simm.s32 @p2 $0x1082  }
0x22: {  	[simem:s7], [sflag:s8] =	dma.local @!p0 [hbm:s6], $0xF7A  }
0x23: {  	s9 =	sor.u32 $0xD0000000, s2;
	s6 =	simm.s32 $0x108;
	_ =	swait.ge @!p0 [sflag:s8], $0x0  }
0x24: {  	s3 =	sadd.s32 $0x88, s3;
	s6 =	simm.s32 @!p1 $0x1082;
	[sflag:s4] =	ssyncset.s32 $0xFFFFF086  }
0x25: {  	[simem:s6], [sflag:s4] =	dma.local [hbm:s3], $0xF7A  }
0x26: {  	[smem:$0x3F9C] =	sst s1;
	(tag) =	ssettag s2;
	_ =	strace s9  }
0x27: {  	s1 =	sld [smem:$0x3FAC]  }
0x28: {  	s2 =	sld [smem:$0x3FAD]  }
0x29: {  	s4 =	sld [smem:$0x3FAF]  }
0x2a: {  	p0 =	seq.s32 s5, $0x0;
	s5 =	sld [smem:$0x3FB0]  }
0x2b: {  	s6 =	sld [smem:$0x3FB1]  }
0x2c: {  	s7 =	sld [smem:$0x3FB2]  }
0x2d: {  	s3 =	simm.s32 $0x108;
	s8 =	sld [smem:$0x3FB3]  }
0x2e: {  	s3 =	simm.s32 @!p0 $0x1082;
	s9 =	sld [smem:$0x3FB4]  }
0x2f: {  	lr =	sadd.s32 s0, s3;
	s0 =	sld [smem:$0x3FAB]  }
0x30: {  	s3 =	sld [smem:$0x3FAE]  }
0x31: {  	[smem:$0x3FB7] =	sst s10  }
0x32: {  	s10 =	sld [smem:$0x3FB5];
	_ =	sdelay $0x3  }
0x33: {  	p0 =	seq.s32 s10, $0x1;
	s10 =	sld [smem:$0x3FB7];
	_ =	sdelay $0x3  }
0x34: {  	[smem:$0x3FB7] =	sst s10  }
0x35: {  	s10 =	sld [smem:$0x3FB6];
	_ =	sdelay $0x3  }
0x36: {  	p1 =	seq.s32 s10, $0x1;
	s10 =	sld [smem:$0x3FB7];
	_ =	sdelay $0x3  }
0x37: {  	[smem:$0x3FB7] =	sst s10  }
0x38: {  	s10 =	sld [smem:$0x3FB8]  }
0x39: {  	_ = 	snop;
	(pc) =	sbr.ind lr, $3  }
0x3a: {  	_ = 	snop  }
0x3b: {  	_ = 	snop  }
0x3c: {  	p2 =	seq.s32 s10, $0x1;
	s10 =	sld [smem:$0x3FB7]  }
0x3d: {  	_ =	shalt  }
0x3e: {  	_ =	shalt  }
0x3f: {  	_ =	shalt  }
0x40: {  	_ =	shalt  }
0x41: {  	_ =	shalt  }
0x42: {  	_ =	shalt  }
0x43: {  	_ =	shalt  }
0x44: {  	_ =	shalt  }
0x45: {  	_ =	shalt  }
0x46: {  	_ =	shalt  }
0x47: {  	_ =	shalt  }
0x48: {  	_ =	shalt  }
0x49: {  	_ =	shalt  }
0x4a: {  	_ =	shalt  }
0x4b: {  	_ =	shalt  }
0x4c: {  	_ =	shalt  }
0x4d: {  	_ =	shalt  }
0x4e: {  	_ =	shalt  }
0x4f: {  	_ =	shalt  }
0x50: {  	_ =	shalt  }
0x51: {  	_ =	shalt  }
0x52: {  	_ =	shalt  }
0x53: {  	_ =	shalt  }
0x54: {  	_ =	shalt  }
0x55: {  	_ =	shalt  }
0x56: {  	_ =	shalt  }
0x57: {  	_ =	shalt  }
0x58: {  	_ =	shalt  }
0x59: {  	_ =	shalt  }
0x5a: {  	_ =	shalt  }
0x5b: {  	_ =	shalt  }
0x5c: {  	_ =	shalt  }
0x5d: {  	_ =	shalt  }
0x5e: {  	_ =	shalt  }
0x5f: {  	_ =	shalt  }
0x60: {  	_ =	shalt  }
0x61: {  	_ =	shalt  }
0x62: {  	_ =	shalt  }
0x63: {  	_ =	shalt  }
0x64: {  	_ =	shalt  }
0x65: {  	_ =	shalt  }
0x66: {  	_ =	shalt  }
0x67: {  	_ =	shalt  }
0x68: {  	_ =	shalt  }
0x69: {  	_ =	shalt  }
0x6a: {  	_ =	shalt  }
0x6b: {  	_ =	shalt  }
0x6c: {  	_ =	shalt  }
0x6d: {  	_ =	shalt  }
0x6e: {  	_ =	shalt  }
0x6f: {  	_ =	shalt  }
0x70: {  	_ =	shalt  }
0x71: {  	_ =	shalt  }
0x72: {  	_ =	shalt  }
0x73: {  	_ =	shalt  }
0x74: {  	_ =	shalt  }
0x75: {  	_ =	shalt  }
0x76: {  	_ =	shalt  }
0x77: {  	_ =	shalt  }
0x78: {  	_ =	shalt  }
0x79: {  	_ =	shalt  }
0x7a: {  	_ =	shalt  }
0x7b: {  	_ =	shalt  }
0x7c: {  	_ =	shalt  }
0x7d: {  	_ =	shalt  }
0x7e: {  	_ =	shalt  }
0x7f: {  	_ =	shalt  }
0x80: {  	_ =	shalt  }
0x81: {  	_ =	shalt  }
0x82: {  	_ =	shalt  }
0x83: {  	_ =	shalt  }
0x84: {  	_ =	shalt  }
0x85: {  	_ =	shalt  }
0x86: {  	_ =	shalt  }
0x87: {  	_ =	shalt  }
.Lfunc_end0:
.L_simem_size_0:
called_computation_lowered:
.L_overlay_start_0:
0x88: {  	s2 =	sld [smem:$0x3FD9]  }
0x89: {  	s3 =	sld [smem:$0x3FFE];
	_ =	sdelay $0x1  }
0x8a: {  	s1 =	srdreg.scid  }
0x8b: {  	s0 =	sand.u32 $0x1, s1  }
0x8c: {  	s17 =	sshll.u32 s0, $0xA;
	s2 =	sadd.s32 s3, s2  }
0x8d: {  	s2 =	sadd.s32 s2, s17  }
0x8e: {  	[smem:$0x3FC3] =	sst s2  }
0x8f: {  	_ = 	snop  }
0x90: {  	s2 =	sld [smem:$0x3FC9];
	(tm) =	ssettm $0x1  }
0x91: {  	s18 =	sld [smem:$0x3FFB];
	_ =	sdelay $0x3  }
0x92: {  	_ =	strace s18  }
0x93: {  	s3 =	sld [smem:$0x3FFC];
	_ =	sdelay $0x3  }
0x94: {  	_ =	strace s3  }
0x95: {  	s3 =	sld [smem:$0x3FFD];
	_ =	sdelay $0x3  }
0x96: {  	_ =	strace s3  }
0x97: {  	_ =	strace $0x8FFFFFFF  }
0x98: {  	s19 =	sld [smem:$0x3FDB];
	_ =	sdelay $0x1  }
0x99: {  	s4 =	simm.s32 $_scs_section_size  }
0x9a: {  	s5 =	simm.s32 $_size__tile_overlayer_lowered;
	s6 =	simm.s32 $_tile_overlayer_lowered  }
0x9b: {  	s22 =	simm.s32 $0x1BFF;
	s21 =	sshll.u32 s6, $0x1;
	s3 =	sadd.s32 s4, s19  }
0x9c: {  	s7 =	simm.s32 $0x0;
	s20 =	sshll.u32 s5, $0x1;
	s5 =	sadd.s32 s21, s3  }
0x9d: {  	[timem:s7], [sflag:s22] =	dma.local [hbm:s5], s20  }
0x9e: {  	_ =	swait.ge [sflag:s22], s20  }
0x9f: {  	s4 =	ssub.s32 $0x0, s20;
	[sflag:s22] =	ssyncset.done $0x0  }
0xa0: {  	[sflag:s22] =	ssyncadd.s32 s4;
	_ =	sdelay $0x1  }
0xa1: {  	s23 =	simm.s32 $0x1B8B  }
0xa2: {  	_ =	swait.ge [sflag:s23], $0x1  }
0xa3: {  	[sflag:s23] =	ssyncset.done $0x0  }
0xa4: {  	s25 =	simm.s32 $0x1B8E;
	s24 =	sld [smem:$0x3FFE];
	[sflag:s23] =	ssyncadd.s32 $0xFFFFFFFF  }
0xa5: {  	s26 =	simm.s32 $execute0_lowered;
	[smem:$0x3FD2] =	sst s25  }
0xa6: {  	s5 =	sshll.u32 s26, $0x1;
	_ =	strace $0x80000046;
	[dreg:$0x1] =	wrdreg $0xFFFFFFFF  }
0xa7: {  	s28 =	simm.s32 $_size_execute0_lowered;
	s3 =	sadd.s32 s3, s5;
	[dreg:$0x0] =	wrdreg $0x0  }
0xa8: {  	s5 =	sshll.u32 s28, $0x1;
	[dreg:$0x2] =	wrdreg s3  }
0xa9: {  	[dreg:$0x3] =	wrdreg s5  }
0xaa: {  	[dreg:$0x4] =	wrdreg $0xC0  }
0xab: {  	_ =	task [dreg:s7], $0x5FFFF  }
0xac: {  	[dreg:$0x1] =	wrdreg $0xFFFFFFFF  }
0xad: {  	[dreg:$0x0] =	wrdreg $0x60  }
0xae: {  	[dreg:$0x2] =	wrdreg s2  }
0xaf: {  	[dreg:$0x3] =	wrdreg s24  }
0xb0: {  	[dreg:$0x4] =	wrdreg $0x9  }
0xb1: {  	_ =	task.clear_ibuf [dreg:s7], $0x5FFFF;
	_ =	strace $0x90000046  }
0xb2: {  	s29 =	simm.s32 $0x9;
	_ =	strace $0x80000048  }
0xb3: {  	_ =	swait.ge [sflag:s29], $0x1  }
0xb4: {  	[sflag:s29] =	ssyncadd.s32 $0xFFFFFFFF  }
0xb5: {  	_ =	strace $0x90000048  }
0xb6: {  	_ =	sfence  }
0xb7: {  	s30 =	sld [smem:$0x0];
	_ =	sdelay $0x2  }
0xb8: {  	s31 =	sshll.u32 s1, $0xD;
	s1 =	sshrl.u32 s1, $0x2  }
0xb9: {  	s3 =	sand.u32 $0x4000, s31;
	s1 =	sadd.s32 s1, s30  }
0xba: {  	s0 =	sor.u32 s3, s0;
	s1 =	sshll.u32 s1, $0x11  }
0xbb: {  	s0 =	sor.u32 s1, s0  }
0xbc: {  	s0 =	sadd.s32 $0x8F2B, s0  }
0xbd: {  	[sflag:s0] =	ssyncadd.remote.s32 $0x1  }
0xbe: {  	_ =	sfence.sel $0xFFFF  }
0xbf: {  	[dreg:$0x0] =	wrdreg $0xFFFFFFFF;
	(pc) =	sbr.abs _section_cstart, $3  }
0xc0: {  	[dreg:$0x1] =	wrdreg $0xFFFFFFFF  }
0xc1: {  	_ =	task.clear_ibuf [dreg:s7], $0x2FFFF;
	_ =	strace $0x9FFFFFFF  }
0xc2: {  	(tm) =	ssettm $0x7FFFFFFF  }
0xc3: {  	_ =	shalt  }
tec
execute0_lowered:
.L_overlay_start_1:
0x0: {  	(tag) =	ssettag $0x1  }
0x1: {  	s1 =	srdreg.scid  }
0x2: {  	s3 =	rddreg [dreg:$0x0];
	s0 =	stileid.u32  }
0x3: {  	s8 =	rddreg [dreg:$0x1];
	s2 =	simm.s32 $0x0;
	s6 =	sand.u32 $0x1, s1  }
0x4: {  	s4 =	sshll.u32 s0, $0xA;
	s1 =	rddreg [dreg:$0x2];
	s5 =	sshll.u32 s6, $0x9  }
0x5: {  	s7 =	simm.s32 $0x1;
	[smem:$0x7FF] =	sst s2;
	s9 =	sor.u32 s5, s4  }
0x6: {  	_ =	strace $0x80000047;
	s10 =	ssub.s32 $0x2, s6;
	s4 =	sshrl.u32 s9, $0x3  }
0x7: {  	s6 =	simm.s32 $0x200;
	s4 =	sadd.s32 s3, s4;
	s3 =	simm.s32 $0x2  }
0x8: {  	[tilespmem:s2], [sflag:$0x2] =	stream.linear.gather [hbm4b:s4+s2], $0x200, $0x38;
	[tilespmem:$0x8200] =	vst v63  }
0x9: {  	s5 =	sadd.s32 $0xF42C00, s8;
	s11 =	sshrl.u32 s10, $0x1;
	_ =	swait.ge [sflag:s3], $0x200  }
0xa: {  	s9 =	sshll.u32 s9, $0x3;
	s31 =	ssub.s32 s10, s11;
	[sflag:s3] =	ssyncset.done $0x0  }
0xb: {  	s8 =	sadd.s32 s9, s8;
	s9 =	smax.u32 s31, $0x1;
	[sflag:s3] =	ssyncadd.s32 $0xFFFFFE00  }
0xc: {  	[tilespmem:s6], [sflag:$0x1] =	stream.indirect.gather [hbm4b:s5+s6], $0x40, s2, s6, $0xb8;
	[tilespmem:$0x8200] =	vst v63  }
0xd: {  	p0 =	sne.s32 s9, $0x1;
	_ =	swait.ge [sflag:s7], $0x8000  }
.Ltmp0:
0xe: {  	[sflag:s7] =	ssyncset.done $0x0;
	(pc) =	sbr.rel @!p0 .LBB2_2-.Ltmp0, $4  }
0xf: {  	s8 =	sadd.s32 $0x800, s8;
	[sflag:s7] =	ssyncadd.s32 $0xFFFF8000  }
0x10: {  	[hbm4b:s8+s2] =	stream.linear.scatter [tilespmem:s6], [sflag:$0x2], $0x8000, $0x38;
	[tilespmem:$0x8200] =	vst v63  }
0x11: {  	_ =	swait.ge [sflag:s3], $0x8000  }
0x12: {  	s9 =	sadd.s32 $0xFFFFFFFF, s9;
	[sflag:s3] =	ssyncset.done $0x0  }
.LBB2_1:
0x13: {  	p0 =	sne.s32 s9, $0x1;
	s9 =	sadd.s32 $0xFFFFFFFF, s9;
	[sflag:s3] =	ssyncadd.s32 $0xFFFF8000  }
0x14: {  	[tilespmem:s2], [sflag:$0x2] =	stream.linear.gather [hbm4b:s4+s2], $0x200, $0x38;
	[tilespmem:$0x8200] =	vst v63  }
0x15: {  	_ =	swait.ge [sflag:s3], $0x200  }
0x16: {  	[sflag:s3] =	ssyncset.done $0x0  }
0x17: {  	[sflag:s3] =	ssyncadd.s32 $0xFFFFFE00  }
0x18: {  	[tilespmem:s6], [sflag:$0x1] =	stream.indirect.gather [hbm4b:s5+s6], $0x40, s2, s6, $0xb8;
	[tilespmem:$0x8200] =	vst v63  }
0x19: {  	_ =	swait.ge [sflag:s7], $0x8000  }
.Ltmp1:
0x1a: {  	[sflag:s7] =	ssyncset.done $0x0;
	(pc) =	sbr.rel @p0 .LBB2_1-.Ltmp1, $4  }
0x1b: {  	[sflag:s7] =	ssyncadd.s32 $0xFFFF8000  }
0x1c: {  	[hbm4b:s8+s2] =	stream.linear.scatter [tilespmem:s6], [sflag:$0x2], $0x8000, $0x38;
	[tilespmem:$0x8200] =	vst v63  }
0x1d: {  	_ =	swait.ge [sflag:s3], $0x8000  }
0x1e: {  	[sflag:s3] =	ssyncset.done $0x0  }
.LBB2_2:
0x1f: {  	[sflag:s3] =	ssyncadd.s32 $0xFFFF8000  }
0x20: {  	_ =	sfence.sel $0x180000  }
0x21: {  	[bflag:$0x0] =	sbarrier.arrive $0xFFFF  }
0x22: {  	p0 =	sne.s32 s0, $0x0;
	_ =	strace $0x90000047  }
0x23: {  	s0 =	sadd.s32 @!p0 $0x100000, s1;
	[bflag:$0x2] =	sbarrier.arrive $0xFFFF  }
0x24: {  	[sflag:s0] =	ssyncadd.tile.s32 @!p0 $0x1;
	_ =	shalt  }
.Lfunc_end2:
_tile_overlayer_lowered:
.L_overlay_start_2:
0x25: {  	(tag) =	ssettag $0x2  }
0x26: {  	s0 =	rddreg [dreg:$0x0];
	s2 =	stileid.u32  }
0x27: {  	s1 =	rddreg [dreg:$0x1];
	p0 =	sne.s32 s2, $0x0  }
0x28: {  	s3 =	rddreg [dreg:$0x2];
	[bflag:$0x3] =	sbarrier.arrive $0xFFFF;
	s2 =	simm.s32 @!p0 $0x1C02  }
0x29: {  	[timem:s3], [sflag:s2] =	dma.local @!p0 [hbm:s0], s1  }
0x2a: {  	s0 =	simm.s32 @!p0 $0x2  }
0x2b: {  	_ =	swait.ge @!p0 [sflag:s0], s1  }
0x2c: {  	s1 =	ssub.s32 @!p0 $0x0, s1;
	[sflag:s0] =	ssyncset.done @!p0 $0x0  }
0x2d: {  	[sflag:s0] =	ssyncadd.s32 @!p0 s1  }
0x2e: {  	[bflag:$0x3] =	sbarrier.arrive $0xFFFF  }
0x2f: {  	_ =	shalt  }

// kernel: _run.7.cloned.1.call-start
scs
__scs_entry_jumppad:
0x0: {  	(pc) =	sbr.rel $0x88, $3  }
0x1: {  	(tag) =	ssettag $0x0;
	lr =	simm.s32 $0x1  }
0x2: {  	[smem:$0x3F9C] =	sst lr;
	_ =	strace $0xD0000000  }
0x3: {  	_ = 	snop  }
0x4: {  	_ = 	snop  }
0x5: {  	_ = 	snop  }
0x6: {  	_ = 	snop  }
0x7: {  	_ = 	snop  }
__scs_overlays_trampoline_lowered:
0x8: {  	[smem:$0x3FAB] =	sst s0  }
0x9: {  	[smem:$0x3FAC] =	sst s1  }
0xa: {  	[smem:$0x3FAD] =	sst s2  }
0xb: {  	[smem:$0x3FAE] =	sst s3  }
0xc: {  	[smem:$0x3FAF] =	sst s4  }
0xd: {  	[smem:$0x3FB0] =	sst s5  }
0xe: {  	[smem:$0x3FB1] =	sst s6  }
0xf: {  	[smem:$0x3FB2] =	sst s7  }
0x10: {  	[smem:$0x3FB3] =	sst s8  }
0x11: {  	[smem:$0x3FB4] =	sst s9;
	s0 =	simm.s32 @!p0 $0x0  }
0x12: {  	s1 =	sld [smem:$0x3F9A];
	s0 =	simm.s32 @p0 $0x1  }
0x13: {  	[smem:$0x3FB5] =	sst s0;
	s0 =	simm.s32 @!p1 $0x0  }
0x14: {  	s2 =	sld [smem:$0x3F99];
	s0 =	simm.s32 @p1 $0x1  }
0x15: {  	[smem:$0x3FB6] =	sst s0;
	s0 =	simm.s32 @!p2 $0x0  }
0x16: {  	s3 =	sld [smem:$0x3FDB];
	s0 =	simm.s32 @p2 $0x1  }
0x17: {  	s4 =	simm.s32 $0x1BF5;
	[smem:$0x3FB8] =	sst s0  }
0x18: {  	s0 =	sld [smem:$0x3F9B];
	_ =	swait.ge [sflag:s4], $0x0  }
0x19: {  	s7 =	sld [smem:$0x3F9C]  }
0x1a: {  	s8 =	sadd.s32 $0xFFFFE003, lr  }
0x1b: {  	s9 =	sadd.s32 $0xFFFFFEF7, lr;
	s5 =	simm.s32 $0xFFFFFFFF;
	p2 =	slt.u32 s8, $0xFFFFF086  }
0x1c: {  	p1 =	slt.u32 s9, $0xF7A;
	s5 =	simm.s32 @!p2 $0x0  }
0x1d: {  	s5 =	simm.s32 @p1 $0x1;
	p0 =	seq.s32 s7, s2  }
0x1e: {  	s7 =	smul.u32 @!p0 $0xF7A, s2;
	p2 =	seq.s32 @!p0 s5, $0x0  }
0x1f: {  	s9 =	smul.u32 $0xF7A, s1;
	s8 =	simm.s32 @!p0 $0x1BF5;
	p2 =	por !p2, p0  }
0x20: {  	[sflag:s8] =	ssyncset.s32 @!p0 $0xFFFFF086;
	s6 =	sadd.s32 @!p0 s3, s7;
	s7 =	simm.s32 @!p0 $0x108  }
0x21: {  	s3 =	sadd.s32 s3, s9;
	s6 =	sadd.s32 @!p0 $0x88, s6;
	s7 =	simm.s32 @p2 $0x1082  }
0x22: {  	[simem:s7], [sflag:s8] =	dma.local @!p0 [hbm:s6], $0xF7A  }
0x23: {  	s9 =	sor.u32 $0xD0000000, s2;
	s6 =	simm.s32 $0x108;
	_ =	swait.ge @!p0 [sflag:s8], $0x0  }
0x24: {  	s3 =	sadd.s32 $0x88, s3;
	s6 =	simm.s32 @!p1 $0x1082;
	[sflag:s4] =	ssyncset.s32 $0xFFFFF086  }
0x25: {  	[simem:s6], [sflag:s4] =	dma.local [hbm:s3], $0xF7A  }
0x26: {  	[smem:$0x3F9C] =	sst s1;
	(tag) =	ssettag s2;
	_ =	strace s9  }
0x27: {  	s1 =	sld [smem:$0x3FAC]  }
0x28: {  	s2 =	sld [smem:$0x3FAD]  }
0x29: {  	s4 =	sld [smem:$0x3FAF]  }
0x2a: {  	p0 =	seq.s32 s5, $0x0;
	s5 =	sld [smem:$0x3FB0]  }
0x2b: {  	s6 =	sld [smem:$0x3FB1]  }
0x2c: {  	s7 =	sld [smem:$0x3FB2]  }
0x2d: {  	s3 =	simm.s32 $0x108;
	s8 =	sld [smem:$0x3FB3]  }
0x2e: {  	s3 =	simm.s32 @!p0 $0x1082;
	s9 =	sld [smem:$0x3FB4]  }
0x2f: {  	lr =	sadd.s32 s0, s3;
	s0 =	sld [smem:$0x3FAB]  }
0x30: {  	s3 =	sld [smem:$0x3FAE]  }
0x31: {  	[smem:$0x3FB7] =	sst s10  }
0x32: {  	s10 =	sld [smem:$0x3FB5];
	_ =	sdelay $0x3  }
0x33: {  	p0 =	seq.s32 s10, $0x1;
	s10 =	sld [smem:$0x3FB7];
	_ =	sdelay $0x3  }
0x34: {  	[smem:$0x3FB7] =	sst s10  }
0x35: {  	s10 =	sld [smem:$0x3FB6];
	_ =	sdelay $0x3  }
0x36: {  	p1 =	seq.s32 s10, $0x1;
	s10 =	sld [smem:$0x3FB7];
	_ =	sdelay $0x3  }
0x37: {  	[smem:$0x3FB7] =	sst s10  }
0x38: {  	s10 =	sld [smem:$0x3FB8]  }
0x39: {  	_ = 	snop;
	(pc) =	sbr.ind lr, $3  }
0x3a: {  	_ = 	snop  }
0x3b: {  	_ = 	snop  }
0x3c: {  	p2 =	seq.s32 s10, $0x1;
	s10 =	sld [smem:$0x3FB7]  }
0x3d: {  	_ =	shalt  }
0x3e: {  	_ =	shalt  }
0x3f: {  	_ =	shalt  }
0x40: {  	_ =	shalt  }
0x41: {  	_ =	shalt  }
0x42: {  	_ =	shalt  }
0x43: {  	_ =	shalt  }
0x44: {  	_ =	shalt  }
0x45: {  	_ =	shalt  }
0x46: {  	_ =	shalt  }
0x47: {  	_ =	shalt  }
0x48: {  	_ =	shalt  }
0x49: {  	_ =	shalt  }
0x4a: {  	_ =	shalt  }
0x4b: {  	_ =	shalt  }
0x4c: {  	_ =	shalt  }
0x4d: {  	_ =	shalt  }
0x4e: {  	_ =	shalt  }
0x4f: {  	_ =	shalt  }
0x50: {  	_ =	shalt  }
0x51: {  	_ =	shalt  }
0x52: {  	_ =	shalt  }
0x53: {  	_ =	shalt  }
0x54: {  	_ =	shalt  }
0x55: {  	_ =	shalt  }
0x56: {  	_ =	shalt  }
0x57: {  	_ =	shalt  }
0x58: {  	_ =	shalt  }
0x59: {  	_ =	shalt  }
0x5a: {  	_ =	shalt  }
0x5b: {  	_ =	shalt  }
0x5c: {  	_ =	shalt  }
0x5d: {  	_ =	shalt  }
0x5e: {  	_ =	shalt  }
0x5f: {  	_ =	shalt  }
0x60: {  	_ =	shalt  }
0x61: {  	_ =	shalt  }
0x62: {  	_ =	shalt  }
0x63: {  	_ =	shalt  }
0x64: {  	_ =	shalt  }
0x65: {  	_ =	shalt  }
0x66: {  	_ =	shalt  }
0x67: {  	_ =	shalt  }
0x68: {  	_ =	shalt  }
0x69: {  	_ =	shalt  }
0x6a: {  	_ =	shalt  }
0x6b: {  	_ =	shalt  }
0x6c: {  	_ =	shalt  }
0x6d: {  	_ =	shalt  }
0x6e: {  	_ =	shalt  }
0x6f: {  	_ =	shalt  }
0x70: {  	_ =	shalt  }
0x71: {  	_ =	shalt  }
0x72: {  	_ =	shalt  }
0x73: {  	_ =	shalt  }
0x74: {  	_ =	shalt  }
0x75: {  	_ =	shalt  }
0x76: {  	_ =	shalt  }
0x77: {  	_ =	shalt  }
0x78: {  	_ =	shalt  }
0x79: {  	_ =	shalt  }
0x7a: {  	_ =	shalt  }
0x7b: {  	_ =	shalt  }
0x7c: {  	_ =	shalt  }
0x7d: {  	_ =	shalt  }
0x7e: {  	_ =	shalt  }
0x7f: {  	_ =	shalt  }
0x80: {  	_ =	shalt  }
0x81: {  	_ =	shalt  }
0x82: {  	_ =	shalt  }
0x83: {  	_ =	shalt  }
0x84: {  	_ =	shalt  }
0x85: {  	_ =	shalt  }
0x86: {  	_ =	shalt  }
0x87: {  	_ =	shalt  }
.Lfunc_end0:
.L_simem_size_0:
called_computation.1_lowered:
.L_overlay_start_0:
0x88: {  	s2 =	sld [smem:$0x3FD9]  }
0x89: {  	s3 =	sld [smem:$0x3FFE];
	_ =	sdelay $0x1  }
0x8a: {  	s1 =	srdreg.scid  }
0x8b: {  	s0 =	sand.u32 $0x1, s1  }
0x8c: {  	s17 =	sshll.u32 s0, $0xA;
	s2 =	sadd.s32 s3, s2  }
0x8d: {  	s2 =	sadd.s32 s2, s17  }
0x8e: {  	[smem:$0x3FC3] =	sst s2  }
0x8f: {  	_ = 	snop  }
0x90: {  	s2 =	sld [smem:$0x3FC8]  }
0x91: {  	s18 =	sld [smem:$0x3FC5]  }
0x92: {  	s4 =	sld [smem:$0x3FD0];
	(tm) =	ssettm $0x1  }
0x93: {  	s5 =	sld [smem:$0x3FFB];
	_ =	sdelay $0x3  }
0x94: {  	_ =	strace s5  }
0x95: {  	s5 =	sld [smem:$0x3FFC];
	_ =	sdelay $0x3  }
0x96: {  	_ =	strace s5  }
0x97: {  	s5 =	sld [smem:$0x3FFD];
	_ =	sdelay $0x3  }
0x98: {  	_ =	strace s5  }
0x99: {  	_ =	strace $0x8FFFFFFF  }
0x9a: {  	s19 =	sld [smem:$0x3FDB];
	_ =	sdelay $0x1  }
0x9b: {  	s6 =	simm.s32 $_scs_section_size  }
0x9c: {  	s7 =	simm.s32 $_size__tile_overlayer_lowered;
	s8 =	simm.s32 $_tile_overlayer_lowered  }
0x9d: {  	s22 =	simm.s32 $0x1BFF;
	s21 =	sshll.u32 s8, $0x1;
	s5 =	sadd.s32 s6, s19  }
0x9e: {  	s9 =	simm.s32 $0x0;
	s20 =	sshll.u32 s7, $0x1;
	s7 =	sadd.s32 s21, s5  }
0x9f: {  	[timem:s9], [sflag:s22] =	dma.local [hbm:s7], s20  }
0xa0: {  	_ =	swait.ge [sflag:s22], s20  }
0xa1: {  	s6 =	ssub.s32 $0x0, s20;
	[sflag:s22] =	ssyncset.done $0x0  }
0xa2: {  	[sflag:s22] =	ssyncadd.s32 s6;
	_ =	sdelay $0x1  }
0xa3: {  	s23 =	simm.s32 $0x1B8B  }
0xa4: {  	_ =	swait.ge [sflag:s23], $0x1  }
0xa5: {  	[sflag:s23] =	ssyncset.done $0x0  }
0xa6: {  	s25 =	simm.s32 $0x1B8E;
	s24 =	sld [smem:$0x3FFE];
	[sflag:s23] =	ssyncadd.s32 $0xFFFFFFFF  }
0xa7: {  	s26 =	simm.s32 $execute0_lowered;
	[smem:$0x3FD2] =	sst s25  }
0xa8: {  	s7 =	sshll.u32 s26, $0x1;
	_ =	strace $0x80000049;
	[dreg:$0x1] =	wrdreg $0xFFFFFFFF  }
0xa9: {  	s28 =	simm.s32 $_size_execute0_lowered;
	s5 =	sadd.s32 s5, s7;
	[dreg:$0x0] =	wrdreg $0x0  }
0xaa: {  	s7 =	sshll.u32 s28, $0x1;
	[dreg:$0x2] =	wrdreg s5  }
0xab: {  	[dreg:$0x3] =	wrdreg s7  }
0xac: {  	[dreg:$0x4] =	wrdreg $0xC0  }
0xad: {  	_ =	task [dreg:s9], $0x5FFFF  }
0xae: {  	[dreg:$0x1] =	wrdreg $0xFFFFFFFF  }
0xaf: {  	[dreg:$0x0] =	wrdreg $0x60  }
0xb0: {  	[dreg:$0x2] =	wrdreg s2  }
0xb1: {  	[dreg:$0x3] =	wrdreg s24  }
0xb2: {  	[dreg:$0x4] =	wrdreg s18  }
0xb3: {  	[dreg:$0x5] =	wrdreg s4  }
0xb4: {  	[dreg:$0x6] =	wrdreg $0x9  }
0xb5: {  	_ =	task.clear_ibuf [dreg:s9], $0x7FFFF;
	_ =	strace $0x90000049  }
0xb6: {  	s29 =	simm.s32 $0x9;
	_ =	strace $0x8000004B  }
0xb7: {  	_ =	swait.ge [sflag:s29], $0x1  }
0xb8: {  	[sflag:s29] =	ssyncadd.s32 $0xFFFFFFFF  }
0xb9: {  	_ =	strace $0x9000004B  }
0xba: {  	_ =	sfence  }
0xbb: {  	s30 =	sld [smem:$0x0];
	_ =	sdelay $0x2  }
0xbc: {  	s31 =	sshll.u32 s1, $0xD;
	s1 =	sshrl.u32 s1, $0x2  }
0xbd: {  	s3 =	sand.u32 $0x4000, s31;
	s1 =	sadd.s32 s1, s30  }
0xbe: {  	s0 =	sor.u32 s3, s0;
	s1 =	sshll.u32 s1, $0x11  }
0xbf: {  	s0 =	sor.u32 s1, s0  }
0xc0: {  	s0 =	sadd.s32 $0x8F2B, s0  }
0xc1: {  	[sflag:s0] =	ssyncadd.remote.s32 $0x1  }
0xc2: {  	_ =	sfence.sel $0xFFFF  }
0xc3: {  	[dreg:$0x0] =	wrdreg $0xFFFFFFFF;
	(pc) =	sbr.abs _section_cstart, $3  }
0xc4: {  	[dreg:$0x1] =	wrdreg $0xFFFFFFFF  }
0xc5: {  	_ =	task.clear_ibuf [dreg:s9], $0x2FFFF;
	_ =	strace $0x9FFFFFFF  }
0xc6: {  	(tm) =	ssettm $0x7FFFFFFF  }
0xc7: {  	_ =	shalt  }
tec
execute0_lowered:
.L_overlay_start_1:
0x0: {  	(tag) =	ssettag $0x1  }
0x1: {  	s5 =	rddreg [dreg:$0x0]  }
0x2: {  	s6 =	rddreg [dreg:$0x1]  }
0x3: {  	s1 =	rddreg [dreg:$0x2]  }
0x4: {  	s7 =	rddreg [dreg:$0x3]  }
0x5: {  	s0 =	rddreg [dreg:$0x4];
	s3 =	simm.s32 $0x0;
	s4 =	srdreg.scid  }
0x6: {  	s2 =	stileid.u32;
	s12 =	simm.s32 $0x8200;
	s13 =	simm.s32 $0x1  }
0x7: {  	s14 =	simm.s32 $0x2;
	s15 =	simm.s32 $0x3;
	s16 =	simm.s32 $0x10400  }
0x8: {  	s17 =	simm.s32 $0x0;
	[smem:$0x7FF] =	sst s3;
	s8 =	sand.u32 $0x1, s4  }
0x9: {  	s9 =	sshll.u32 s2, $0xA;
	s4 =	sadd.s32 $0x20800, s6;
	s10 =	sshll.u32 s8, $0x9  }
0xa: {  	_ =	strace $0x8000004A;
	s8 =	ssub.s32 $0x2, s8;
	s9 =	sor.u32 s10, s9  }
0xb: {  	s11 =	sshrl.u32 s8, $0x1;
	s10 =	sshll.u32 s9, $0x3;
	s9 =	sshrl.u32 s9, $0x3  }
0xc: {  	s8 =	ssub.s32 s8, s11;
	s11 =	simm.s32 $0x10200;
	s6 =	sadd.s32 s10, s6  }
0xd: {  	v0 =	vlaneseq.u32;
	s5 =	sadd.s32 s5, s9;
	s7 =	sadd.s32 s7, s9;
	s8 =	smax.u32 s8, $0x1  }
0xe: {  	v0 =	vmul.u32 $0x40, v0;
	s9 =	simm.s32 $0x4;
	s10 =	simm.s32 $0x200;
	s6 =	sadd.s32 $0x800, s6  }
.LBB2_1:
0xf: {  	[tilespmem:s3], [sflag:$0x4] =	stream.linear.gather [hbm4b:s5+s3], $0x200, $0x38;
	[tilespmem:$0x10600] =	vst v63  }
0x10: {  	_ =	swait.ge [sflag:s9], $0x200  }
0x11: {  	[sflag:s9] =	ssyncset.done $0x0  }
0x12: {  	[sflag:s9] =	ssyncadd.s32 $0xFFFFFE00  }
0x13: {  	[tilespmem:s10], [sflag:$0x1] =	stream.indirect.gather [hbm4b:s4+s10], $0x40, s3, s10, $0xb8;
	[tilespmem:$0x10600] =	vst v63  }
0x14: {  	_ = 	snop  }
0x15: {  	[tilespmem:s11], [sflag:$0x2] =	stream.indirect.gather [hbm4b:s1+s10], $0x1, s3, s10, $0xb8;
	[tilespmem:$0x10600] =	vst v63  }
0x16: {  	_ = 	snop  }
0x17: {  	[tilespmem:s12], [sflag:$0x3] =	stream.linear.gather [hbm4b:s6+s3], $0x8000, $0x38;
	[tilespmem:$0x10600] =	vst v63  }
0x18: {  	_ =	swait.ge [sflag:s13], $0x8000  }
0x19: {  	[sflag:s13] =	ssyncset.done $0x0  }
0x1a: {  	[sflag:s13] =	ssyncadd.s32 $0xFFFF8000  }
0x1b: {  	_ =	swait.ge [sflag:s14], $0x200  }
0x1c: {  	[sflag:s14] =	ssyncset.done $0x0  }
0x1d: {  	[sflag:s14] =	ssyncadd.s32 $0xFFFFFE00  }
0x1e: {  	_ =	swait.ge [sflag:s15], $0x8000  }
0x1f: {  	[sflag:s15] =	ssyncset.done $0x0  }
0x20: {  	s18 =	simm.s32 $0x0;
	[sflag:s15] =	ssyncadd.s32 $0xFFFF8000  }
.LBB2_2:
0x21: {  	s19 =	sshll.u32 s18, $0x4  }
0x22: {  	v1 =	vmov s19  }
0x23: {  	v1 =	vshll.u32 v1, $0x6  }
0x24: {  	v1 =	vor.u32 v0, v1  }
0x25: {  	s20 =	simm.s32 $0x0;
	v2 =	vor.u32 $0x1, v1  }
0x26: {  	v3 =	vor.u32 s20, v2;
	_ =	sdelay $0x1  }
0x27: {  	v4 =	vor.u32 s20, v1;
	_ =	sdelay $0x1  }
0x28: {  	s31 =	simm.s32 $0x2  }
0x29: {  	v5 =	vor.u32 s31, v2;
	v10 =	vld.idx.msk [tilespmem:v3+s12+$0x0], $0xffff  }
0x2a: {  	v3 =	vld.idx.msk [tilespmem:v3+s10+$0x0], $0xffff  }
0x2b: {  	v11 =	vor.u32 s31, v1;
	v6 =	vld.idx.msk [tilespmem:v4+s12+$0x0], $0xffff  }
0x2c: {  	v8 =	vld.idx.msk [tilespmem:v4+s10+$0x0], $0xffff;
	_ =	sdelay $0x1  }
0x2d: {  	v9 =	vimm.f32 $0.0e+00;
	s20 =	simm.s32 $0x4;
	v4 =	vimm.f32 $0.0e+00;
	v7 =	vld.idx.msk [tilespmem:v5+s12+$0x0], $0xffff  }
.LBB2_3:
0x2e: {  	v12 =	vmov v3;
	v3 =	vld.idx.msk [tilespmem:v5+s10+$0x0], $0xffff;
	v5 =	vor.u32 s20, v2;
	p0 =	sne.s32 s20, $0x3E  }
.Ltmp0:
0x2f: {  	v13 =	vmov v6;
	v6 =	vld.idx.msk [tilespmem:v11+s12+$0x0], $0xffff;
	(pc) =	sbr.rel @p0 .LBB2_3-.Ltmp0, $4  }
0x30: {  	v13 =	vmul.f32 v8, v13;
	v12 =	vmul.f32 v12, v10;
	v8 =	vld.idx.msk [tilespmem:v11+s10+$0x0], $0xffff;
	v11 =	vor.u32 s20, v1  }
0x31: {  	s20 =	sadd.s32 $0x2, s20  }
0x32: {  	v4 =	vadd.f32 v13, v4;
	v9 =	vadd.f32 v12, v9  }
0x33: {  	v10 =	vmov v7;
	v7 =	vld.idx.msk [tilespmem:v5+s12+$0x0], $0xffff  }
0x34: {  	_ =	sdelay $0x3  }
0x35: {  	v1 =	vld.idx.msk [tilespmem:v5+s10+$0x0], $0xffff  }
0x36: {  	v2 =	vld.idx.msk [tilespmem:v11+s12+$0x0], $0xffff  }
0x37: {  	v63 =	vld.idx.msk [tilespmem:v11+s10+$0x0], $0xffff;
	_ =	sdelay $0x1  }
0x38: {  	v3 =	vmul.f32 v3, v10  }
0x39: {  	v6 =	vmul.f32 v8, v6  }
0x3a: {  	v3 =	vadd.f32 v3, v9  }
0x3b: {  	v4 =	vadd.f32 v6, v4;
	v2 =	vmul.f32 v63, v2;
	v1 =	vmul.f32 v1, v7;
	_ =	sdelay $0x1  }
0x3c: {  	v2 =	vadd.f32 v2, v4;
	v1 =	vadd.f32 v1, v3;
	_ =	sdelay $0x1  }
0x3d: {  	v1 =	vadd.f32 v1, v2;
	_ =	sdelay $0x1  }
0x3e: {  	v2 =	vmul.f32 $1.442695020e+00, v1;
	_ =	sdelay $0x1  }
0x3f: {  	(erf) = vpow2.f32 v2;
	_ =	sdelay $0x5  }
0x40: {  	v2 =	vld [tilespmem:s19+$0x10200]  }
0x41: {  	s18 =	sadd.s32 $0x1, s18  }
0x42: {  	p0 =	sne.s32 s18, $0x20;
	v3 =	vadd.f32 $1.000000000e+00, v1  }
.Ltmp1:
0x43: {  	vm0 =	vgt.f32 v1, $0.0e+00;
	v1 =	vpop (erf);
	(pc) =	sbr.rel @p0 .LBB2_2-.Ltmp1, $3  }
0x44: {  	v1 =	vsel vm0, v3, v1  }
0x45: {  	v1 =	vmul.f32 v2, v1;
	_ =	sdelay $0x1  }
0x46: {  	[tilespmem:s19+$0x10400] =	vst v1  }
0x47: {  	s17 =	sadd.s32 $0x1, s17  }
0x48: {  	p0 =	sne.s32 s17, s8  }
.Ltmp2:
0x49: {  	_ = 	snop;
	(pc) =	sbr.rel @p0 .LBB2_1-.Ltmp2, $4  }
0x4a: {  	[hbm4b:s7+s3] =	stream.linear.scatter [tilespmem:s16], [sflag:$0x4], $0x200, $0x38;
	[tilespmem:$0x10600] =	vst v63  }
0x4b: {  	_ =	swait.ge [sflag:s9], $0x200  }
0x4c: {  	[sflag:s9] =	ssyncset.done $0x0  }
0x4d: {  	[sflag:s9] =	ssyncadd.s32 $0xFFFFFE00  }
0x4e: {  	_ =	sfence.sel $0x180000  }
0x4f: {  	[bflag:$0x0] =	sbarrier.arrive $0xFFFF  }
0x50: {  	p0 =	sne.s32 s2, $0x0;
	_ =	strace $0x9000004A  }
0x51: {  	s0 =	sadd.s32 @!p0 $0x100000, s0;
	[bflag:$0x2] =	sbarrier.arrive $0xFFFF  }
0x52: {  	[sflag:s0] =	ssyncadd.tile.s32 @!p0 $0x1;
	_ =	shalt  }
.Lfunc_end2:
_tile_overlayer_lowered:
.L_overlay_start_2:
0x53: {  	(tag) =	ssettag $0x2  }
0x54: {  	s0 =	rddreg [dreg:$0x0];
	s2 =	stileid.u32  }
0x55: {  	s1 =	rddreg [dreg:$0x1];
	p0 =	sne.s32 s2, $0x0  }
0x56: {  	s3 =	rddreg [dreg:$0x2];
	[bflag:$0x3] =	sbarrier.arrive $0xFFFF;
	s2 =	simm.s32 @!p0 $0x1C04  }
0x57: {  	[timem:s3], [sflag:s2] =	dma.local @!p0 [hbm:s0], s1  }
0x58: {  	s0 =	simm.s32 @!p0 $0x4  }
0x59: {  	_ =	swait.ge @!p0 [sflag:s0], s1  }
0x5a: {  	s1 =	ssub.s32 @!p0 $0x0, s1;
	[sflag:s0] =	ssyncset.done @!p0 $0x0  }
0x5b: {  	[sflag:s0] =	ssyncadd.s32 @!p0 s1  }
0x5c: {  	[bflag:$0x3] =	sbarrier.arrive $0xFFFF  }
0x5d: {  	_ =	shalt  }

</sc_bundles>
